<compile_context>
chip_gen: v7x
topology: tpu7x:2x2x1
jax: 0.10.2.dev20260603
libtpu: 0.0.44.dev20260713+nightly
codegen_flags: <defaults>
</compile_context>

<pallas_src>
import functools

import jax
import jax.numpy as jnp
from jax import lax
from jax.experimental import pallas as pl
from jax.experimental.pallas import tpu as pltpu
from jax.experimental.pallas import tpu_sc as plsc

_C = 768
_HW = 3136
_NP = 3584
_BQ = 896
_NQB = _NP // _BQ

_NW = 32
_BPW = _NP // _NW


def _argmin_body(ct_ref, tm_ref, z_ref, bs_ref):
    q = pl.program_id(0)

    a = ct_ref[...]

    @pl.when(q == 0)
    def _():
        bf = tm_ref[...].astype(jnp.float32)
        bn2 = jnp.sum(bf * bf, axis=0, keepdims=True)
        bs_ref[...] = (bf / (jnp.sqrt(bn2 + 1e-8) + 1e-8)).astype(jnp.bfloat16)

    r = lax.dot_general(a, bs_ref[...], (((1,), (0,)), ((), ())),
                        preferred_element_type=jnp.float32)
    sim = r[:, :_HW]
    m_blk = jnp.max(sim, axis=1, keepdims=True)
    col = lax.broadcasted_iota(jnp.int32, (_BQ, _HW), 1)
    z_ref[0] = jnp.min(jnp.where(sim == m_blk, col, jnp.int32(2**30)),
                       axis=1, keepdims=True)


@functools.cache
def _sc_gather_fn():
    mesh = plsc.VectorSubcoreMesh(core_axis_name="c", subcore_axis_name="s")

    @functools.partial(
        pl.kernel,
        mesh=mesh,
        out_type=jax.ShapeDtypeStruct((_NP, _C), jnp.float32),
        scratch_types=[
            pltpu.VMEM((_BPW,), jnp.int32),
            pltpu.VMEM((_BPW, _C), jnp.float32),
            pltpu.SemaphoreType.DMA,
            pltpu.SemaphoreType.DMA,
        ],
    )
    def _sc_gather(s_hbm, idx_hbm, out_hbm, idx_v, rows_v, gsem, wsem):
        wid = lax.axis_index("s") * 2 + lax.axis_index("c")
        base = wid * _BPW
        half = _BPW // 2
        pltpu.sync_copy(idx_hbm.at[pl.ds(base, _BPW)], idx_v)
        g0 = pltpu.async_copy(s_hbm.at[idx_v.at[pl.ds(0, half)]],
                              rows_v.at[pl.ds(0, half)], gsem)
        g1 = pltpu.async_copy(s_hbm.at[idx_v.at[pl.ds(half, half)]],
                              rows_v.at[pl.ds(half, half)], gsem)
        g0.wait()
        w0 = pltpu.async_copy(rows_v.at[pl.ds(0, half)],
                              out_hbm.at[pl.ds(base, half)], wsem)
        g1.wait()
        w1 = pltpu.async_copy(rows_v.at[pl.ds(half, half)],
                              out_hbm.at[pl.ds(base + half, half)], wsem)
        w0.wait()
        w1.wait()

    return _sc_gather


def _loss_body(ct_ref, g_ref, out_ref, acc_ref):
    q = pl.program_id(0)

    a = ct_ref[...].astype(jnp.float32)
    g = g_ref[...]
    an2 = jnp.sum(a * a, axis=1, keepdims=True)
    gn2 = jnp.sum(g * g, axis=1, keepdims=True)
    dots = jnp.sum(a * g, axis=1, keepdims=True)
    p = dots / ((jnp.sqrt(an2) + 1e-8) * (jnp.sqrt(gn2) + 1e-8))

    @pl.when(q == 0)
    def _():
        acc_ref[0, 0] = 0.0

    acc_ref[0, 0] += jnp.sum(p)

    @pl.when(q == _NQB - 1)
    def _():
        out_ref[0, 0] = 1.0 - acc_ref[0, 0] / _HW


def kernel(ct_feats, tmpl_feats, s_feats):
    n, c, h, w = ct_feats.shape
    hw = h * w
    pad = _NP - hw
    a_bf = jnp.pad(ct_feats.reshape(c, hw).T,
                   ((0, pad), (0, 0))).astype(jnp.bfloat16)
    b_bf = jnp.pad(tmpl_feats.reshape(c, hw),
                   ((0, 0), (0, pad))).astype(jnp.bfloat16)
    s_t = s_feats.reshape(c, hw).T

    z = pl.pallas_call(
        _argmin_body,
        grid=(_NQB,),
        in_specs=[
            pl.BlockSpec((_BQ, _C), lambda q: (q, 0)),
            pl.BlockSpec((_C, _NP), lambda q: (0, 0)),
        ],
        out_specs=pl.BlockSpec((1, _BQ, 1), lambda q: (q, 0, 0)),
        out_shape=jax.ShapeDtypeStruct((_NQB, _BQ, 1), jnp.int32),
        scratch_shapes=[
            pltpu.VMEM((_C, _NP), jnp.bfloat16),
        ],
    )(a_bf, b_bf)

    feat = _sc_gather_fn()(s_t, z.reshape(_NP))

    out = pl.pallas_call(
        _loss_body,
        grid=(_NQB,),
        in_specs=[
            pl.BlockSpec((_BQ, _C), lambda q: (q, 0)),
            pl.BlockSpec((_BQ, _C), lambda q: (q, 0)),
        ],
        out_specs=pl.BlockSpec(memory_space=pltpu.SMEM),
        out_shape=jax.ShapeDtypeStruct((1, 1), jnp.float32),
        scratch_shapes=[pltpu.SMEM((1, 1), jnp.float32)],
    )(a_bf, feat)
    return out[0, 0]

# --- scband reference (transcript-rebuilt; emitter-appended) ---
"""Pipeline reference for scband-cached-nnfmloss-30468497998254 (READ-ONLY COPY).

The authoritative reference and input builder live on the scoring server;
editing this copy changes nothing except your own understanding.
"""

import jax, jax.numpy as jnp
import numpy as np


def cos_loss(a, b):
    # a, b: [n, c, hw]
    a_norm = jnp.sqrt((a * a).sum(1, keepdims=True))
    b_norm = jnp.sqrt((b * b).sum(1, keepdims=True))
    a_tmp = a / (a_norm + 1e-08)
    b_tmp = b / (b_norm + 1e-08)
    cossim = (a_tmp * b_tmp).sum(1)
    cos_d = 1.0 - cossim
    return cos_d.mean()


def argmin_cos_distance(a, b):
    # a: [n, c, hw], b: [n, c, h2w2]
    b_norm = jnp.sqrt((b * b).sum(1, keepdims=True) + 1e-08)
    b = b / (b_norm + 1e-08)
    a_norm = jnp.sqrt((a * a).sum(1, keepdims=True) + 1e-08)
    a = a / (a_norm + 1e-08)
    d_mat = 1.0 - jnp.matmul(jnp.swapaxes(a, 2, 1), b)  # [n, hw, h2w2]
    z_best = jnp.argmin(d_mat, axis=2)  # [n, hw]
    return z_best


def nn_feat_replace(a, b, d):
    n, c, h, w = a.shape
    a_flat = a.reshape(n, c, -1)
    b_flat = b.reshape(n, c, -1)
    c_flat = d.reshape(n, c, -1)
    z_best = argmin_cos_distance(a_flat, b_flat)  # [n, hw] int32
    score = z_best
    idx = jnp.repeat(z_best[:, None, :], c, axis=1)  # [n, c, hw]
    feat = jnp.take_along_axis(c_flat, idx, axis=2)  # [n, c, hw]
    z_new = feat.reshape(n, c, h, w)
    return z_new, jax.lax.stop_gradient(score)


def setup_inputs(seed: int = 0) -> dict:
    key = jax.random.key(seed)
    k1, k2, k3 = jax.random.split(key, 3)
    ct_feats = jax.random.normal(k1, (1, 768, 56, 56), dtype=jnp.float32)
    tmpl_feats = jax.random.normal(k2, (1, 768, 56, 56), dtype=jnp.float32)
    s_feats = jax.random.normal(k3, (1, 768, 56, 56), dtype=jnp.float32)
    return {"ct_feats": ct_feats, "tmpl_feats": tmpl_feats, "s_feats": s_feats}


def reference(ct_feats, tmpl_feats, s_feats):
    # Core of CachedNNFMLoss: nearest-neighbor feature matching of current
    # render features against template features, gather style features at the
    # matched indices, then cosine-distance loss (nnfm_loss).
    z_new, score = nn_feat_replace(ct_feats, tmpl_feats, s_feats)
    n, c, h, w = ct_feats.shape
    loss = cos_loss(ct_feats.reshape(n, c, -1), z_new.reshape(n, c, -1))
    return loss

if __name__ == "__main__":
    import jax
    _d = setup_inputs()
    print(jax.jit(kernel)(*tuple(_d.values())))

</pallas_src>

<mosaic_0001>
#map = affine_map<(d0, d1) -> (0, 0)>
#map1 = affine_map<(d0, d1) -> (0)>
module attributes {stable_mosaic.version = 14 : i64} {
  func.func @_sc_gather(%arg0: i32, %arg1: i32, %arg2: memref<3136x768xf32, #tpu.memory_space<hbm>>, %arg3: memref<3584xi32, #tpu.memory_space<hbm>>, %arg4: memref<3584x768xf32, #tpu.memory_space<hbm>>, %arg5: memref<112xi32, #tpu.memory_space<vmem>>, %arg6: memref<112x768xf32, #tpu.memory_space<vmem>>, %arg7: memref<!tpu.dma_semaphore, #tpu.memory_space<semaphore_mem>>, %arg8: memref<!tpu.dma_semaphore, #tpu.memory_space<semaphore_mem>>) attributes {dimension_semantics = [#tpu.dimension_semantics<core_parallel>, #tpu.dimension_semantics<subcore_parallel>], iteration_bounds = array<i64: 2, 16>, scalar_prefetch = 0 : i64, scratch_operands = 4 : i64, tpu.core_type = #tpu.core_type<sc_vector_subcore>, window_params = [{transform_indices = #map}, {transform_indices = #map1}, {transform_indices = #map}]} {
    %mul3A = arith.constant 2 : i32
    %mul3A_0 = arith.muli %arg1, %mul3A : i32
    %add3A = arith.addi %mul3A_0, %arg0 : i32
    %mul3A_1 = arith.constant 112 : i32
    %mul3A_2 = arith.muli %add3A, %mul3A_1 : i32
    "tpu.region"() ({
      %run_scoped3A = tpu.sem_alloc : memref<!tpu.dma_semaphore, #tpu.memory_space<semaphore_mem>>
      %dma_start3A_75 = tpu.memref_slice %arg3[%mul3A_2] : memref<3584xi32, #tpu.memory_space<hbm>> -> memref<112xi32, #tpu.memory_space<hbm>>
      %dma_start3A_76 = tpu.memref_slice %arg3[%mul3A_2] : memref<3584xi32, #tpu.memory_space<hbm>> -> memref<112xi32, #tpu.memory_space<hbm>>
      tpu.enqueue_dma source(%dma_start3A_76 : memref<112xi32, #tpu.memory_space<hbm>>) target(%arg5 : memref<112xi32, #tpu.memory_space<vmem>>) target_semaphore(%run_scoped3A : memref<!tpu.dma_semaphore, #tpu.memory_space<semaphore_mem>>)
      %dma_wait3A_77 = tpu.memref_slice %arg3[%mul3A_2] : memref<3584xi32, #tpu.memory_space<hbm>> -> memref<112xi32, #tpu.memory_space<hbm>>
      %dma_wait3A_78 = tpu.memref_slice %arg3[%mul3A_2] : memref<3584xi32, #tpu.memory_space<hbm>> -> memref<112xi32, #tpu.memory_space<hbm>>
      tpu.wait_dma2 semaphore(%run_scoped3A : memref<!tpu.dma_semaphore, #tpu.memory_space<semaphore_mem>>) src(%dma_wait3A_78 : memref<112xi32, #tpu.memory_space<hbm>>) dst(%arg5 : memref<112xi32, #tpu.memory_space<vmem>>)
      tpu.yield
    }) : () -> ()
    %dma_start3A = arith.constant 0 : i32
    %dma_start3A_3 = arith.constant 0 : i32
    %dma_start3A_4 = tpu.memref_slice %arg6[%dma_start3A, %dma_start3A_3] : memref<112x768xf32, #tpu.memory_space<vmem>> -> memref<56x768xf32, #tpu.memory_space<vmem>>
    %dma_start3A_5 = arith.constant 0 : i32
    %dma_start3A_6 = tpu.memref_slice %arg5[%dma_start3A_5] : memref<112xi32, #tpu.memory_space<vmem>> -> memref<56xi32, #tpu.memory_space<vmem>>
    %dma_start3A_7 = arith.constant 0 : i32
    %dma_start3A_8 = arith.constant 0 : i32
    %dma_start3A_9 = tpu.memref_slice %arg2[%dma_start3A_7, %dma_start3A_8] : memref<3136x768xf32, #tpu.memory_space<hbm>> -> memref<3136x768xf32, #tpu.memory_space<hbm>>
    tpu.enqueue_indirect_dma source(%dma_start3A_9 : memref<3136x768xf32, #tpu.memory_space<hbm>>) target(%dma_start3A_4 : memref<56x768xf32, #tpu.memory_space<vmem>>) offsets(%dma_start3A_6 : memref<56xi32, #tpu.memory_space<vmem>>) semaphore(%arg7 : memref<!tpu.dma_semaphore, #tpu.memory_space<semaphore_mem>>)
    %dma_start3A_10 = arith.constant 56 : i32
    %dma_start3A_11 = arith.constant 0 : i32
    %dma_start3A_12 = tpu.memref_slice %arg6[%dma_start3A_10, %dma_start3A_11] : memref<112x768xf32, #tpu.memory_space<vmem>> -> memref<56x768xf32, #tpu.memory_space<vmem>>
    %dma_start3A_13 = arith.constant 56 : i32
    %dma_start3A_14 = tpu.memref_slice %arg5[%dma_start3A_13] : memref<112xi32, #tpu.memory_space<vmem>> -> memref<56xi32, #tpu.memory_space<vmem>>
    %dma_start3A_15 = arith.constant 0 : i32
    %dma_start3A_16 = arith.constant 0 : i32
    %dma_start3A_17 = tpu.memref_slice %arg2[%dma_start3A_15, %dma_start3A_16] : memref<3136x768xf32, #tpu.memory_space<hbm>> -> memref<3136x768xf32, #tpu.memory_space<hbm>>
    tpu.enqueue_indirect_dma source(%dma_start3A_17 : memref<3136x768xf32, #tpu.memory_space<hbm>>) target(%dma_start3A_12 : memref<56x768xf32, #tpu.memory_space<vmem>>) offsets(%dma_start3A_14 : memref<56xi32, #tpu.memory_space<vmem>>) semaphore(%arg7 : memref<!tpu.dma_semaphore, #tpu.memory_space<semaphore_mem>>)
    %dma_wait3A = arith.constant 0 : i32
    %dma_wait3A_18 = arith.constant 0 : i32
    %dma_wait3A_19 = tpu.memref_slice %arg6[%dma_wait3A, %dma_wait3A_18] : memref<112x768xf32, #tpu.memory_space<vmem>> -> memref<56x768xf32, #tpu.memory_space<vmem>>
    %dma_wait3A_20 = arith.constant 0 : i32
    %dma_wait3A_21 = tpu.memref_slice %arg5[%dma_wait3A_20] : memref<112xi32, #tpu.memory_space<vmem>> -> memref<56xi32, #tpu.memory_space<vmem>>
    %dma_wait3A_22 = arith.constant 0 : i32
    %dma_wait3A_23 = arith.constant 0 : i32
    %dma_wait3A_24 = tpu.memref_slice %arg2[%dma_wait3A_22, %dma_wait3A_23] : memref<3136x768xf32, #tpu.memory_space<hbm>> -> memref<3136x768xf32, #tpu.memory_space<hbm>>
    tpu.wait_indirect_dma semaphore(%arg7 : memref<!tpu.dma_semaphore, #tpu.memory_space<semaphore_mem>>) src(%dma_wait3A_24 : memref<3136x768xf32, #tpu.memory_space<hbm>>) dst(%dma_wait3A_19 : memref<56x768xf32, #tpu.memory_space<vmem>>)
    %dma_start3A_25 = arith.constant 0 : i32
    %dma_start3A_26 = arith.constant 0 : i32
    %dma_start3A_27 = tpu.memref_slice %arg6[%dma_start3A_25, %dma_start3A_26] : memref<112x768xf32, #tpu.memory_space<vmem>> -> memref<56x768xf32, #tpu.memory_space<vmem>>
    %dma_start3A_28 = arith.constant 0 : i32
    %dma_start3A_29 = tpu.memref_slice %arg4[%mul3A_2, %dma_start3A_28] : memref<3584x768xf32, #tpu.memory_space<hbm>> -> memref<56x768xf32, #tpu.memory_space<hbm>>
    %dma_start3A_30 = arith.constant 0 : i32
    %dma_start3A_31 = tpu.memref_slice %arg4[%mul3A_2, %dma_start3A_30] : memref<3584x768xf32, #tpu.memory_space<hbm>> -> memref<56x768xf32, #tpu.memory_space<hbm>>
    %dma_start3A_32 = arith.constant 0 : i32
    %dma_start3A_33 = arith.constant 0 : i32
    %dma_start3A_34 = tpu.memref_slice %arg6[%dma_start3A_32, %dma_start3A_33] : memref<112x768xf32, #tpu.memory_space<vmem>> -> memref<56x768xf32, #tpu.memory_space<vmem>>
    tpu.enqueue_dma source(%dma_start3A_34 : memref<56x768xf32, #tpu.memory_space<vmem>>) target(%dma_start3A_31 : memref<56x768xf32, #tpu.memory_space<hbm>>) target_semaphore(%arg8 : memref<!tpu.dma_semaphore, #tpu.memory_space<semaphore_mem>>)
    %dma_wait3A_35 = arith.constant 56 : i32
    %dma_wait3A_36 = arith.constant 0 : i32
    %dma_wait3A_37 = tpu.memref_slice %arg6[%dma_wait3A_35, %dma_wait3A_36] : memref<112x768xf32, #tpu.memory_space<vmem>> -> memref<56x768xf32, #tpu.memory_space<vmem>>
    %dma_wait3A_38 = arith.constant 56 : i32
    %dma_wait3A_39 = tpu.memref_slice %arg5[%dma_wait3A_38] : memref<112xi32, #tpu.memory_space<vmem>> -> memref<56xi32, #tpu.memory_space<vmem>>
    %dma_wait3A_40 = arith.constant 0 : i32
    %dma_wait3A_41 = arith.constant 0 : i32
    %dma_wait3A_42 = tpu.memref_slice %arg2[%dma_wait3A_40, %dma_wait3A_41] : memref<3136x768xf32, #tpu.memory_space<hbm>> -> memref<3136x768xf32, #tpu.memory_space<hbm>>
    tpu.wait_indirect_dma semaphore(%arg7 : memref<!tpu.dma_semaphore, #tpu.memory_space<semaphore_mem>>) src(%dma_wait3A_42 : memref<3136x768xf32, #tpu.memory_space<hbm>>) dst(%dma_wait3A_37 : memref<56x768xf32, #tpu.memory_space<vmem>>)
    %add3A_43 = arith.constant 56 : i32
    %add3A_44 = arith.addi %mul3A_2, %add3A_43 : i32
    %dma_start3A_45 = arith.constant 56 : i32
    %dma_start3A_46 = arith.constant 0 : i32
    %dma_start3A_47 = tpu.memref_slice %arg6[%dma_start3A_45, %dma_start3A_46] : memref<112x768xf32, #tpu.memory_space<vmem>> -> memref<56x768xf32, #tpu.memory_space<vmem>>
    %dma_start3A_48 = arith.constant 0 : i32
    %dma_start3A_49 = tpu.memref_slice %arg4[%add3A_44, %dma_start3A_48] : memref<3584x768xf32, #tpu.memory_space<hbm>> -> memref<56x768xf32, #tpu.memory_space<hbm>>
    %dma_start3A_50 = arith.constant 0 : i32
    %dma_start3A_51 = tpu.memref_slice %arg4[%add3A_44, %dma_start3A_50] : memref<3584x768xf32, #tpu.memory_space<hbm>> -> memref<56x768xf32, #tpu.memory_space<hbm>>
    %dma_start3A_52 = arith.constant 56 : i32
    %dma_start3A_53 = arith.constant 0 : i32
    %dma_start3A_54 = tpu.memref_slice %arg6[%dma_start3A_52, %dma_start3A_53] : memref<112x768xf32, #tpu.memory_space<vmem>> -> memref<56x768xf32, #tpu.memory_space<vmem>>
    tpu.enqueue_dma source(%dma_start3A_54 : memref<56x768xf32, #tpu.memory_space<vmem>>) target(%dma_start3A_51 : memref<56x768xf32, #tpu.memory_space<hbm>>) target_semaphore(%arg8 : memref<!tpu.dma_semaphore, #tpu.memory_space<semaphore_mem>>)
    %dma_wait3A_55 = arith.constant 0 : i32
    %dma_wait3A_56 = arith.constant 0 : i32
    %dma_wait3A_57 = tpu.memref_slice %arg6[%dma_wait3A_55, %dma_wait3A_56] : memref<112x768xf32, #tpu.memory_space<vmem>> -> memref<56x768xf32, #tpu.memory_space<vmem>>
    %dma_wait3A_58 = arith.constant 0 : i32
    %dma_wait3A_59 = tpu.memref_slice %arg4[%mul3A_2, %dma_wait3A_58] : memref<3584x768xf32, #tpu.memory_space<hbm>> -> memref<56x768xf32, #tpu.memory_space<hbm>>
    %dma_wait3A_60 = arith.constant 0 : i32
    %dma_wait3A_61 = tpu.memref_slice %arg4[%mul3A_2, %dma_wait3A_60] : memref<3584x768xf32, #tpu.memory_space<hbm>> -> memref<56x768xf32, #tpu.memory_space<hbm>>
    %dma_wait3A_62 = arith.constant 0 : i32
    %dma_wait3A_63 = arith.constant 0 : i32
    %dma_wait3A_64 = tpu.memref_slice %arg6[%dma_wait3A_62, %dma_wait3A_63] : memref<112x768xf32, #tpu.memory_space<vmem>> -> memref<56x768xf32, #tpu.memory_space<vmem>>
    tpu.wait_dma2 semaphore(%arg8 : memref<!tpu.dma_semaphore, #tpu.memory_space<semaphore_mem>>) src(%dma_wait3A_64 : memref<56x768xf32, #tpu.memory_space<vmem>>) dst(%dma_wait3A_61 : memref<56x768xf32, #tpu.memory_space<hbm>>)
    %dma_wait3A_65 = arith.constant 56 : i32
    %dma_wait3A_66 = arith.constant 0 : i32
    %dma_wait3A_67 = tpu.memref_slice %arg6[%dma_wait3A_65, %dma_wait3A_66] : memref<112x768xf32, #tpu.memory_space<vmem>> -> memref<56x768xf32, #tpu.memory_space<vmem>>
    %dma_wait3A_68 = arith.constant 0 : i32
    %dma_wait3A_69 = tpu.memref_slice %arg4[%add3A_44, %dma_wait3A_68] : memref<3584x768xf32, #tpu.memory_space<hbm>> -> memref<56x768xf32, #tpu.memory_space<hbm>>
    %dma_wait3A_70 = arith.constant 0 : i32
    %dma_wait3A_71 = tpu.memref_slice %arg4[%add3A_44, %dma_wait3A_70] : memref<3584x768xf32, #tpu.memory_space<hbm>> -> memref<56x768xf32, #tpu.memory_space<hbm>>
    %dma_wait3A_72 = arith.constant 56 : i32
    %dma_wait3A_73 = arith.constant 0 : i32
    %dma_wait3A_74 = tpu.memref_slice %arg6[%dma_wait3A_72, %dma_wait3A_73] : memref<112x768xf32, #tpu.memory_space<vmem>> -> memref<56x768xf32, #tpu.memory_space<vmem>>
    tpu.wait_dma2 semaphore(%arg8 : memref<!tpu.dma_semaphore, #tpu.memory_space<semaphore_mem>>) src(%dma_wait3A_74 : memref<56x768xf32, #tpu.memory_space<vmem>>) dst(%dma_wait3A_71 : memref<56x768xf32, #tpu.memory_space<hbm>>)
    return
  }
}

module attributes {stable_mosaic.version = 14 : i64} {
  func.func @_argmin_body(%arg0: i32, %arg1: memref<896x768xbf16, #tpu.memory_space<vmem>>, %arg2: memref<768x3584xbf16, #tpu.memory_space<vmem>>, %arg3: memref<1x896x1xi32, #tpu.memory_space<vmem>>, %arg4: memref<768x3584xbf16, #tpu.memory_space<vmem>>) attributes {dimension_semantics = [#tpu.dimension_semantics<arbitrary>], iteration_bounds = array<i64: 4>, scalar_prefetch = 0 : i64, scratch_operands = 1 : i64, tpu.core_type = #tpu.core_type<tc>, window_params = [{transform_indices = @transform_0, window_bounds = array<i64: 896, 768>}, {pipeline_mode = #tpu.pipeline_mode<synchronous>, transform_indices = @transform_1, window_bounds = array<i64: 768, 3584>}, {transform_indices = @transform_2, window_bounds = array<i64: 1, 896, 1>}]} {
    %get3A = arith.constant 0 : index
    %get3A_0 = arith.constant 0 : index
    %get3A_1 = vector.load %arg1[%get3A, %get3A_0] : memref<896x768xbf16, #tpu.memory_space<vmem>>, vector<896x768xbf16>
    %eq3A = arith.constant 0 : i32
    %eq3A_2 = arith.cmpi eq, %arg0, %eq3A : i32
    %convert_element_type3A = arith.extui %eq3A_2 : i1 to i32
    %cond3A = arith.constant 0 : i32
    %cond3A_3 = arith.cmpi ne, %convert_element_type3A, %cond3A : i32
    scf.if %cond3A_3 {
      %get3A_19 = arith.constant 0 : index
      %get3A_20 = arith.constant 0 : index
      %get3A_21 = vector.load %arg2[%get3A_19, %get3A_20] : memref<768x3584xbf16, #tpu.memory_space<vmem>>, vector<768x3584xbf16>
      %convert_element_type3A_22 = arith.extf %get3A_21 : vector<768x3584xbf16> to vector<768x3584xf32>
      %mul3A = arith.mulf %convert_element_type3A_22, %convert_element_type3A_22 : vector<768x3584xf32>
      %reduce_sum3A = arith.constant dense<0.000000e+00> : vector<3584xf32>
      %reduce_sum3A_23 = vector.multi_reduction <add>, %mul3A, %reduce_sum3A [0] : vector<768x3584xf32> to vector<3584xf32>
      %broadcast_in_dim3A_24 = vector.shape_cast %reduce_sum3A_23 : vector<3584xf32> to vector<1x3584xf32>
      %add3A = arith.constant 9.99999993E-9 : f32
      %add3A_25 = vector.broadcast %add3A : f32 to vector<1x3584xf32>
      %add3A_26 = arith.addf %broadcast_in_dim3A_24, %add3A_25 : vector<1x3584xf32>
      %sqrt3A = math.sqrt %add3A_26 : vector<1x3584xf32>
      %add3A_27 = arith.constant 9.99999993E-9 : f32
      %add3A_28 = vector.broadcast %add3A_27 : f32 to vector<1x3584xf32>
      %add3A_29 = arith.addf %sqrt3A, %add3A_28 : vector<1x3584xf32>
      %div3A = vector.broadcast %add3A_29 : vector<1x3584xf32> to vector<768x3584xf32>
      %div3A_30 = arith.divf %convert_element_type3A_22, %div3A : vector<768x3584xf32>
      %convert_element_type3A_31 = arith.truncf %div3A_30 : vector<768x3584xf32> to vector<768x3584xbf16>
      %swap3A_32 = arith.constant 0 : index
      %swap3A_33 = arith.constant 0 : index
      %swap3A_34 = vector.load %arg4[%swap3A_32, %swap3A_33] : memref<768x3584xbf16, #tpu.memory_space<vmem>>, vector<768x3584xbf16>
      tpu.vector_store %arg4[%swap3A_32, %swap3A_33], %convert_element_type3A_31 {strides = array<i32>} : memref<768x3584xbf16, #tpu.memory_space<vmem>>, vector<768x3584xbf16>,
    } else {
    }
    %get3A_4 = arith.constant 0 : index
    %get3A_5 = arith.constant 0 : index
    %get3A_6 = vector.load %arg4[%get3A_4, %get3A_5] : memref<768x3584xbf16, #tpu.memory_space<vmem>>, vector<768x3584xbf16>
    %dot_general3A = arith.constant dense<0.000000e+00> : vector<896x3584xf32>
    %dot_general3A_7 = tpu.matmul %get3A_1, %get3A_6, %dot_general3A {dimension_numbers = #tpu.dot_dimension_numbers<[1], [0], [0], [1], [0, 0, 1, 1], [], []>, transpose_lhs_hint = false} : vector<896x768xbf16>, vector<768x3584xbf16>, vector<896x3584xf32> -> vector<896x3584xf32>
    %slice3A = vector.extract_strided_slice %dot_general3A_7 {offsets = [0, 0], sizes = [896, 3136], strides = [1, 1]} : vector<896x3584xf32> to vector<896x3136xf32>
    %reduce_max3A = arith.constant dense<0xFF800000> : vector<896xf32>
    %reduce_max3A_8 = vector.multi_reduction <maximumf>, %slice3A, %reduce_max3A [1] : vector<896x3136xf32> to vector<896xf32>
    %broadcast_in_dim3A = vector.shape_cast %reduce_max3A_8 : vector<896xf32> to vector<896x1xf32>
    %iota3A = tpu.iota {dimensions = array<i32: 1>} : vector<896x3136xi32>
    %eq3A_9 = vector.broadcast %broadcast_in_dim3A : vector<896x1xf32> to vector<896x3136xf32>
    %eq3A_10 = arith.cmpf oeq, %slice3A, %eq3A_9 : vector<896x3136xf32>
    %jit3A = arith.constant 1073741824 : i32
    %broadcast_in_dim3A_11 = vector.broadcast %jit3A : i32 to vector<896x3136xi32>
    %select_n3A = arith.select %eq3A_10, %iota3A, %broadcast_in_dim3A_11 : vector<896x3136xi1>, vector<896x3136xi32>
    %reduce_min3A = arith.constant dense<2147483647> : vector<896xi32>
    %reduce_min3A_12 = vector.multi_reduction <minsi>, %select_n3A, %reduce_min3A [1] : vector<896x3136xi32> to vector<896xi32>
    %broadcast_in_dim3A_13 = vector.shape_cast %reduce_min3A_12 : vector<896xi32> to vector<896x1xi32>
    %swap3A = arith.constant 0 : index
    %swap3A_14 = arith.constant 0 : index
    %swap3A_15 = arith.constant 0 : index
    %swap3A_16 = vector.load %arg3[%swap3A, %swap3A_14, %swap3A_15] : memref<1x896x1xi32, #tpu.memory_space<vmem>>, vector<1x896x1xi32>
    %swap3A_17 = vector.shape_cast %swap3A_16 : vector<1x896x1xi32> to vector<896x1xi32>
    %swap3A_18 = vector.shape_cast %broadcast_in_dim3A_13 : vector<896x1xi32> to vector<1x896x1xi32>
    tpu.vector_store %arg3[%swap3A, %swap3A_14, %swap3A_15], %swap3A_18 {strides = array<i32>} : memref<1x896x1xi32, #tpu.memory_space<vmem>>, vector<1x896x1xi32>,
    return
  }
  func.func @transform_0(%arg0: i32) -> (i32, i32) {
    %c0_i32 = arith.constant 0 : i32
    %c0_i32_0 = arith.constant 0 : i32
    return %arg0, %c0_i32 : i32, i32
  }
  func.func @transform_1(%arg0: i32) -> (i32, i32) {
    %c0_i32 = arith.constant 0 : i32
    %c0_i32_0 = arith.constant 0 : i32
    %c0_i32_1 = arith.constant 0 : i32
    return %c0_i32, %c0_i32_0 : i32, i32
  }
  func.func @transform_2(%arg0: i32) -> (i32, i32, i32) {
    %c0_i32 = arith.constant 0 : i32
    %c0_i32_0 = arith.constant 0 : i32
    %c0_i32_1 = arith.constant 0 : i32
    return %arg0, %c0_i32, %c0_i32_0 : i32, i32, i32
  }
}

module attributes {stable_mosaic.version = 14 : i64} {
  func.func @_loss_body(%arg0: i32, %arg1: memref<896x768xbf16, #tpu.memory_space<vmem>>, %arg2: memref<896x768xf32, #tpu.memory_space<vmem>>, %arg3: memref<1x1xf32, #tpu.memory_space<smem>>, %arg4: memref<1x1xf32, #tpu.memory_space<smem>>) attributes {dimension_semantics = [#tpu.dimension_semantics<arbitrary>], iteration_bounds = array<i64: 4>, scalar_prefetch = 0 : i64, scratch_operands = 1 : i64, tpu.core_type = #tpu.core_type<tc>, window_params = [{transform_indices = @transform_0, window_bounds = array<i64: 896, 768>}, {transform_indices = @transform_1, window_bounds = array<i64: 896, 768>}, {transform_indices = @transform_2, window_bounds = array<i64: 1, 1>}]} {
    %get3A = arith.constant 0 : index
    %get3A_0 = arith.constant 0 : index
    %get3A_1 = vector.load %arg1[%get3A, %get3A_0] : memref<896x768xbf16, #tpu.memory_space<vmem>>, vector<896x768xbf16>
    %convert_element_type3A = arith.extf %get3A_1 : vector<896x768xbf16> to vector<896x768xf32>
    %get3A_2 = arith.constant 0 : index
    %get3A_3 = arith.constant 0 : index
    %get3A_4 = vector.load %arg2[%get3A_2, %get3A_3] : memref<896x768xf32, #tpu.memory_space<vmem>>, vector<896x768xf32>
    %mul3A = arith.mulf %convert_element_type3A, %convert_element_type3A : vector<896x768xf32>
    %reduce_sum3A = arith.constant dense<0.000000e+00> : vector<896xf32>
    %reduce_sum3A_5 = vector.multi_reduction <add>, %mul3A, %reduce_sum3A [1] : vector<896x768xf32> to vector<896xf32>
    %broadcast_in_dim3A = vector.shape_cast %reduce_sum3A_5 : vector<896xf32> to vector<896x1xf32>
    %mul3A_6 = arith.mulf %get3A_4, %get3A_4 : vector<896x768xf32>
    %reduce_sum3A_7 = arith.constant dense<0.000000e+00> : vector<896xf32>
    %reduce_sum3A_8 = vector.multi_reduction <add>, %mul3A_6, %reduce_sum3A_7 [1] : vector<896x768xf32> to vector<896xf32>
    %broadcast_in_dim3A_9 = vector.shape_cast %reduce_sum3A_8 : vector<896xf32> to vector<896x1xf32>
    %mul3A_10 = arith.mulf %convert_element_type3A, %get3A_4 : vector<896x768xf32>
    %reduce_sum3A_11 = arith.constant dense<0.000000e+00> : vector<896xf32>
    %reduce_sum3A_12 = vector.multi_reduction <add>, %mul3A_10, %reduce_sum3A_11 [1] : vector<896x768xf32> to vector<896xf32>
    %broadcast_in_dim3A_13 = vector.shape_cast %reduce_sum3A_12 : vector<896xf32> to vector<896x1xf32>
    %sqrt3A = math.sqrt %broadcast_in_dim3A : vector<896x1xf32>
    %add3A = arith.constant 9.99999993E-9 : f32
    %add3A_14 = vector.broadcast %add3A : f32 to vector<896x1xf32>
    %add3A_15 = arith.addf %sqrt3A, %add3A_14 : vector<896x1xf32>
    %sqrt3A_16 = math.sqrt %broadcast_in_dim3A_9 : vector<896x1xf32>
    %add3A_17 = arith.constant 9.99999993E-9 : f32
    %add3A_18 = vector.broadcast %add3A_17 : f32 to vector<896x1xf32>
    %add3A_19 = arith.addf %sqrt3A_16, %add3A_18 : vector<896x1xf32>
    %mul3A_20 = arith.mulf %add3A_15, %add3A_19 : vector<896x1xf32>
    %div3A = arith.divf %broadcast_in_dim3A_13, %mul3A_20 : vector<896x1xf32>
    %eq3A = arith.constant 0 : i32
    %eq3A_21 = arith.cmpi eq, %arg0, %eq3A : i32
    %convert_element_type3A_22 = arith.extui %eq3A_21 : i1 to i32
    %cond3A = arith.constant 0 : i32
    %cond3A_23 = arith.cmpi ne, %convert_element_type3A_22, %cond3A : i32
    scf.if %cond3A_23 {
      %swap3A_40 = arith.constant 0.000000e+00 : f32
      %swap3A_41 = arith.constant 0 : index
      %swap3A_42 = arith.constant 0 : index
      %swap3A_43 = memref.load %arg4[%swap3A_41, %swap3A_42] : memref<1x1xf32, #tpu.memory_space<smem>>
      memref.store %swap3A_40, %arg4[%swap3A_41, %swap3A_42] : memref<1x1xf32, #tpu.memory_space<smem>>
    } else {
    }
    %get3A_24 = arith.constant 0 : index
    %get3A_25 = arith.constant 0 : index
    %get3A_26 = memref.load %arg4[%get3A_24, %get3A_25] : memref<1x1xf32, #tpu.memory_space<smem>>
    %reduce_sum3A_27 = vector.shape_cast %div3A : vector<896x1xf32> to vector<1x896x1xf32>
    %reduce_sum3A_28 = arith.constant dense<0.000000e+00> : vector<1xf32>
    %reduce_sum3A_29 = vector.multi_reduction <add>, %reduce_sum3A_27, %reduce_sum3A_28 [1, 2] : vector<1x896x1xf32> to vector<1xf32>
    %reduce_sum3A_30 = vector.shape_cast %reduce_sum3A_29 : vector<1xf32> to vector<1x1x1xf32>
    %reduce_sum3A_31 = vector.extract %reduce_sum3A_30[0, 0, 0] : f32 from vector<1x1x1xf32>
    %add3A_32 = arith.addf %get3A_26, %reduce_sum3A_31 : f32
    %swap3A = arith.constant 0 : index
    %swap3A_33 = arith.constant 0 : index
    %swap3A_34 = memref.load %arg4[%swap3A, %swap3A_33] : memref<1x1xf32, #tpu.memory_space<smem>>
    memref.store %add3A_32, %arg4[%swap3A, %swap3A_33] : memref<1x1xf32, #tpu.memory_space<smem>>
    %eq3A_35 = arith.constant 3 : i32
    %eq3A_36 = arith.cmpi eq, %arg0, %eq3A_35 : i32
    %convert_element_type3A_37 = arith.extui %eq3A_36 : i1 to i32
    %cond3A_38 = arith.constant 0 : i32
    %cond3A_39 = arith.cmpi ne, %convert_element_type3A_37, %cond3A_38 : i32
    scf.if %cond3A_39 {
      %get3A_40 = arith.constant 0 : index
      %get3A_41 = arith.constant 0 : index
      %get3A_42 = memref.load %arg4[%get3A_40, %get3A_41] : memref<1x1xf32, #tpu.memory_space<smem>>
      %div3A_43 = arith.constant 3.136000e+03 : f32
      %div3A_44 = arith.divf %get3A_42, %div3A_43 : f32
      %sub3A = arith.constant 1.000000e+00 : f32
      %sub3A_45 = arith.subf %sub3A, %div3A_44 : f32
      %swap3A_46 = arith.constant 0 : index
      %swap3A_47 = arith.constant 0 : index
      %swap3A_48 = memref.load %arg3[%swap3A_46, %swap3A_47] : memref<1x1xf32, #tpu.memory_space<smem>>
      memref.store %sub3A_45, %arg3[%swap3A_46, %swap3A_47] : memref<1x1xf32, #tpu.memory_space<smem>>
    } else {
    }
    return
  }
  func.func @transform_0(%arg0: i32) -> (i32, i32) {
    %c0_i32 = arith.constant 0 : i32
    %c0_i32_0 = arith.constant 0 : i32
    return %arg0, %c0_i32 : i32, i32
  }
  func.func @transform_1(%arg0: i32) -> (i32, i32) {
    %c0_i32 = arith.constant 0 : i32
    %c0_i32_0 = arith.constant 0 : i32
    return %arg0, %c0_i32 : i32, i32
  }
  func.func @transform_2(%arg0: i32) -> (i32, i32) {
    %c0_i32 = arith.constant 0 : i32
    %c0_i32_0 = arith.constant 0 : i32
    %c0_i32_1 = arith.constant 0 : i32
    return %c0_i32, %c0_i32_0 : i32, i32
  }
}

</mosaic_0001>

<sc_bundles>
// kernel: kernel.5.cloned.1.call-start
scs
__scs_entry_jumppad:
0x0: {  	(pc) =	sbr.rel $0x88, $3  }
0x1: {  	(tag) =	ssettag $0x0;
	lr =	simm.s32 $0x1  }
0x2: {  	[smem:$0x3F9E] =	sst lr;
	_ =	strace $0xD0000000  }
0x3: {  	_ = 	snop  }
0x4: {  	_ = 	snop  }
0x5: {  	_ = 	snop  }
0x6: {  	_ = 	snop  }
0x7: {  	_ = 	snop  }
__scs_overlays_trampoline_lowered:
0x8: {  	[smem:$0x3FAD] =	sst s0  }
0x9: {  	[smem:$0x3FAE] =	sst s1  }
0xa: {  	[smem:$0x3FAF] =	sst s2  }
0xb: {  	[smem:$0x3FB0] =	sst s3  }
0xc: {  	[smem:$0x3FB1] =	sst s4  }
0xd: {  	[smem:$0x3FB2] =	sst s5  }
0xe: {  	[smem:$0x3FB3] =	sst s6  }
0xf: {  	[smem:$0x3FB4] =	sst s7  }
0x10: {  	[smem:$0x3FB5] =	sst s8  }
0x11: {  	[smem:$0x3FB6] =	sst s9;
	s0 =	simm.s32 @!p0 $0x0  }
0x12: {  	s1 =	sld [smem:$0x3F9C];
	s0 =	simm.s32 @p0 $0x1  }
0x13: {  	[smem:$0x3FB7] =	sst s0;
	s0 =	simm.s32 @!p1 $0x0  }
0x14: {  	s2 =	sld [smem:$0x3F9B];
	s0 =	simm.s32 @p1 $0x1  }
0x15: {  	[smem:$0x3FB8] =	sst s0;
	s0 =	simm.s32 @!p2 $0x0  }
0x16: {  	s3 =	sld [smem:$0x3FDB];
	s0 =	simm.s32 @p2 $0x1  }
0x17: {  	s4 =	simm.s32 $0x1BF5;
	[smem:$0x3FBA] =	sst s0  }
0x18: {  	s0 =	sld [smem:$0x3F9D];
	_ =	swait.ge [sflag:s4], $0x0  }
0x19: {  	s7 =	sld [smem:$0x3F9E]  }
0x1a: {  	s8 =	sadd.s32 $0xFFFFE003, lr  }
0x1b: {  	s9 =	sadd.s32 $0xFFFFFEF7, lr;
	s5 =	simm.s32 $0xFFFFFFFF;
	p2 =	slt.u32 s8, $0xFFFFF086  }
0x1c: {  	p1 =	slt.u32 s9, $0xF7A;
	s5 =	simm.s32 @!p2 $0x0  }
0x1d: {  	s5 =	simm.s32 @p1 $0x1;
	p0 =	seq.s32 s7, s2  }
0x1e: {  	s7 =	smul.u32 @!p0 $0xF7A, s2;
	p2 =	seq.s32 @!p0 s5, $0x0  }
0x1f: {  	s9 =	smul.u32 $0xF7A, s1;
	s8 =	simm.s32 @!p0 $0x1BF5;
	p2 =	por !p2, p0  }
0x20: {  	[sflag:s8] =	ssyncset.s32 @!p0 $0xFFFFF086;
	s6 =	sadd.s32 @!p0 s3, s7;
	s7 =	simm.s32 @!p0 $0x108  }
0x21: {  	s3 =	sadd.s32 s3, s9;
	s6 =	sadd.s32 @!p0 $0x88, s6;
	s7 =	simm.s32 @p2 $0x1082  }
0x22: {  	[simem:s7], [sflag:s8] =	dma.local @!p0 [hbm:s6], $0xF7A  }
0x23: {  	s9 =	sor.u32 $0xD0000000, s2;
	s6 =	simm.s32 $0x108;
	_ =	swait.ge @!p0 [sflag:s8], $0x0  }
0x24: {  	s3 =	sadd.s32 $0x88, s3;
	s6 =	simm.s32 @!p1 $0x1082;
	[sflag:s4] =	ssyncset.s32 $0xFFFFF086  }
0x25: {  	[simem:s6], [sflag:s4] =	dma.local [hbm:s3], $0xF7A  }
0x26: {  	[smem:$0x3F9E] =	sst s1;
	(tag) =	ssettag s2;
	_ =	strace s9  }
0x27: {  	s1 =	sld [smem:$0x3FAE]  }
0x28: {  	s2 =	sld [smem:$0x3FAF]  }
0x29: {  	s4 =	sld [smem:$0x3FB1]  }
0x2a: {  	p0 =	seq.s32 s5, $0x0;
	s5 =	sld [smem:$0x3FB2]  }
0x2b: {  	s6 =	sld [smem:$0x3FB3]  }
0x2c: {  	s7 =	sld [smem:$0x3FB4]  }
0x2d: {  	s3 =	simm.s32 $0x108;
	s8 =	sld [smem:$0x3FB5]  }
0x2e: {  	s3 =	simm.s32 @!p0 $0x1082;
	s9 =	sld [smem:$0x3FB6]  }
0x2f: {  	lr =	sadd.s32 s0, s3;
	s0 =	sld [smem:$0x3FAD]  }
0x30: {  	s3 =	sld [smem:$0x3FB0]  }
0x31: {  	[smem:$0x3FB9] =	sst s10  }
0x32: {  	s10 =	sld [smem:$0x3FB7];
	_ =	sdelay $0x3  }
0x33: {  	p0 =	seq.s32 s10, $0x1;
	s10 =	sld [smem:$0x3FB9];
	_ =	sdelay $0x3  }
0x34: {  	[smem:$0x3FB9] =	sst s10  }
0x35: {  	s10 =	sld [smem:$0x3FB8];
	_ =	sdelay $0x3  }
0x36: {  	p1 =	seq.s32 s10, $0x1;
	s10 =	sld [smem:$0x3FB9];
	_ =	sdelay $0x3  }
0x37: {  	[smem:$0x3FB9] =	sst s10  }
0x38: {  	s10 =	sld [smem:$0x3FBA]  }
0x39: {  	_ = 	snop;
	(pc) =	sbr.ind lr, $3  }
0x3a: {  	_ = 	snop  }
0x3b: {  	_ = 	snop  }
0x3c: {  	p2 =	seq.s32 s10, $0x1;
	s10 =	sld [smem:$0x3FB9]  }
0x3d: {  	_ =	shalt  }
0x3e: {  	_ =	shalt  }
0x3f: {  	_ =	shalt  }
0x40: {  	_ =	shalt  }
0x41: {  	_ =	shalt  }
0x42: {  	_ =	shalt  }
0x43: {  	_ =	shalt  }
0x44: {  	_ =	shalt  }
0x45: {  	_ =	shalt  }
0x46: {  	_ =	shalt  }
0x47: {  	_ =	shalt  }
0x48: {  	_ =	shalt  }
0x49: {  	_ =	shalt  }
0x4a: {  	_ =	shalt  }
0x4b: {  	_ =	shalt  }
0x4c: {  	_ =	shalt  }
0x4d: {  	_ =	shalt  }
0x4e: {  	_ =	shalt  }
0x4f: {  	_ =	shalt  }
0x50: {  	_ =	shalt  }
0x51: {  	_ =	shalt  }
0x52: {  	_ =	shalt  }
0x53: {  	_ =	shalt  }
0x54: {  	_ =	shalt  }
0x55: {  	_ =	shalt  }
0x56: {  	_ =	shalt  }
0x57: {  	_ =	shalt  }
0x58: {  	_ =	shalt  }
0x59: {  	_ =	shalt  }
0x5a: {  	_ =	shalt  }
0x5b: {  	_ =	shalt  }
0x5c: {  	_ =	shalt  }
0x5d: {  	_ =	shalt  }
0x5e: {  	_ =	shalt  }
0x5f: {  	_ =	shalt  }
0x60: {  	_ =	shalt  }
0x61: {  	_ =	shalt  }
0x62: {  	_ =	shalt  }
0x63: {  	_ =	shalt  }
0x64: {  	_ =	shalt  }
0x65: {  	_ =	shalt  }
0x66: {  	_ =	shalt  }
0x67: {  	_ =	shalt  }
0x68: {  	_ =	shalt  }
0x69: {  	_ =	shalt  }
0x6a: {  	_ =	shalt  }
0x6b: {  	_ =	shalt  }
0x6c: {  	_ =	shalt  }
0x6d: {  	_ =	shalt  }
0x6e: {  	_ =	shalt  }
0x6f: {  	_ =	shalt  }
0x70: {  	_ =	shalt  }
0x71: {  	_ =	shalt  }
0x72: {  	_ =	shalt  }
0x73: {  	_ =	shalt  }
0x74: {  	_ =	shalt  }
0x75: {  	_ =	shalt  }
0x76: {  	_ =	shalt  }
0x77: {  	_ =	shalt  }
0x78: {  	_ =	shalt  }
0x79: {  	_ =	shalt  }
0x7a: {  	_ =	shalt  }
0x7b: {  	_ =	shalt  }
0x7c: {  	_ =	shalt  }
0x7d: {  	_ =	shalt  }
0x7e: {  	_ =	shalt  }
0x7f: {  	_ =	shalt  }
0x80: {  	_ =	shalt  }
0x81: {  	_ =	shalt  }
0x82: {  	_ =	shalt  }
0x83: {  	_ =	shalt  }
0x84: {  	_ =	shalt  }
0x85: {  	_ =	shalt  }
0x86: {  	_ =	shalt  }
0x87: {  	_ =	shalt  }
.Lfunc_end0:
.L_simem_size_0:
called_computation_lowered:
.L_overlay_start_0:
0x88: {  	s2 =	sld [smem:$0x3FD9]  }
0x89: {  	s3 =	sld [smem:$0x3FFE];
	_ =	sdelay $0x1  }
0x8a: {  	s1 =	srdreg.scid  }
0x8b: {  	s0 =	sand.u32 $0x1, s1  }
0x8c: {  	s17 =	sshll.u32 s0, $0xA;
	s2 =	sadd.s32 s3, s2  }
0x8d: {  	s2 =	sadd.s32 s2, s17  }
0x8e: {  	[smem:$0x3FC5] =	sst s2  }
0x8f: {  	_ = 	snop  }
0x90: {  	s2 =	sld [smem:$0x3FC7];
	(tm) =	ssettm $0x1  }
0x91: {  	s18 =	sld [smem:$0x3FFB];
	_ =	sdelay $0x3  }
0x92: {  	_ =	strace s18  }
0x93: {  	s3 =	sld [smem:$0x3FFC];
	_ =	sdelay $0x3  }
0x94: {  	_ =	strace s3  }
0x95: {  	s3 =	sld [smem:$0x3FFD];
	_ =	sdelay $0x3  }
0x96: {  	_ =	strace s3  }
0x97: {  	_ =	strace $0x8FFFFFFF  }
0x98: {  	s19 =	sld [smem:$0x3FDB];
	_ =	sdelay $0x1  }
0x99: {  	s4 =	simm.s32 $_scs_section_size  }
0x9a: {  	s5 =	simm.s32 $_size__tile_overlayer_lowered;
	s6 =	simm.s32 $_tile_overlayer_lowered  }
0x9b: {  	s22 =	simm.s32 $0x1BFF;
	s21 =	sshll.u32 s6, $0x1;
	s3 =	sadd.s32 s4, s19  }
0x9c: {  	s7 =	simm.s32 $0x0;
	s20 =	sshll.u32 s5, $0x1;
	s5 =	sadd.s32 s21, s3  }
0x9d: {  	[timem:s7], [sflag:s22] =	dma.local [hbm:s5], s20  }
0x9e: {  	_ =	swait.ge [sflag:s22], s20  }
0x9f: {  	s4 =	ssub.s32 $0x0, s20;
	[sflag:s22] =	ssyncset.done $0x0  }
0xa0: {  	[sflag:s22] =	ssyncadd.s32 s4;
	_ =	sdelay $0x1  }
0xa1: {  	s23 =	simm.s32 $0x1B8B  }
0xa2: {  	_ =	swait.ge [sflag:s23], $0x1  }
0xa3: {  	[sflag:s23] =	ssyncset.done $0x0  }
0xa4: {  	s25 =	simm.s32 $0x1B8E;
	s24 =	sld [smem:$0x3FFE];
	[sflag:s23] =	ssyncadd.s32 $0xFFFFFFFF  }
0xa5: {  	s26 =	simm.s32 $execute0_lowered;
	[smem:$0x3FD2] =	sst s25  }
0xa6: {  	s5 =	sshll.u32 s26, $0x1;
	_ =	strace $0x80000046;
	[dreg:$0x1] =	wrdreg $0xFFFFFFFF  }
0xa7: {  	s28 =	simm.s32 $_size_execute0_lowered;
	s3 =	sadd.s32 s3, s5;
	[dreg:$0x0] =	wrdreg $0x0  }
0xa8: {  	s5 =	sshll.u32 s28, $0x1;
	[dreg:$0x2] =	wrdreg s3  }
0xa9: {  	[dreg:$0x3] =	wrdreg s5  }
0xaa: {  	[dreg:$0x4] =	wrdreg $0xC0  }
0xab: {  	_ =	task [dreg:s7], $0x5FFFF  }
0xac: {  	[dreg:$0x1] =	wrdreg $0xFFFFFFFF  }
0xad: {  	[dreg:$0x0] =	wrdreg $0x60  }
0xae: {  	[dreg:$0x2] =	wrdreg s2  }
0xaf: {  	[dreg:$0x3] =	wrdreg s24  }
0xb0: {  	[dreg:$0x4] =	wrdreg $0x9  }
0xb1: {  	_ =	task.clear_ibuf [dreg:s7], $0x5FFFF;
	_ =	strace $0x90000046  }
0xb2: {  	s29 =	simm.s32 $0x9;
	_ =	strace $0x80000048  }
0xb3: {  	_ =	swait.ge [sflag:s29], $0x1  }
0xb4: {  	[sflag:s29] =	ssyncadd.s32 $0xFFFFFFFF  }
0xb5: {  	_ =	strace $0x90000048  }
0xb6: {  	_ =	sfence  }
0xb7: {  	s30 =	sld [smem:$0x0];
	_ =	sdelay $0x2  }
0xb8: {  	s31 =	sshll.u32 s1, $0xD;
	s1 =	sshrl.u32 s1, $0x2  }
0xb9: {  	s3 =	sand.u32 $0x4000, s31;
	s1 =	sadd.s32 s1, s30  }
0xba: {  	s0 =	sor.u32 s3, s0;
	s1 =	sshll.u32 s1, $0x11  }
0xbb: {  	s0 =	sor.u32 s1, s0  }
0xbc: {  	s0 =	sadd.s32 $0x8F2B, s0  }
0xbd: {  	[sflag:s0] =	ssyncadd.remote.s32 $0x1  }
0xbe: {  	_ =	sfence.sel $0xFFFF  }
0xbf: {  	[dreg:$0x0] =	wrdreg $0xFFFFFFFF;
	(pc) =	sbr.abs _section_cstart, $3  }
0xc0: {  	[dreg:$0x1] =	wrdreg $0xFFFFFFFF  }
0xc1: {  	_ =	task.clear_ibuf [dreg:s7], $0x2FFFF;
	_ =	strace $0x9FFFFFFF  }
0xc2: {  	(tm) =	ssettm $0x7FFFFFFF  }
0xc3: {  	_ =	shalt  }
tec
execute0_lowered:
.L_overlay_start_1:
0x0: {  	(tag) =	ssettag $0x1  }
0x1: {  	s1 =	srdreg.scid;
	s0 =	stileid.u32  }
0x2: {  	s2 =	rddreg [dreg:$0x0];
	s1 =	sand.u32 $0x1, s1;
	s3 =	sshll.u32 s0, $0x1  }
0x3: {  	s4 =	rddreg [dreg:$0x1];
	s5 =	sor.u32 s1, s3;
	s3 =	simm.s32 $0x0  }
0x4: {  	s8 =	simm.s32 $0x1880;
	[smem:$0x7FF] =	sst s3  }
0x5: {  	s9 =	simm.s32 $0x2080;
	_ =	strace $0x80000047;
	[dreg:$0x8] =	wrdreg s8  }
0x6: {  	s10 =	simm.s32 $0x2880;
	[dreg:$0x9] =	wrdreg s9  }
0x7: {  	s11 =	simm.s32 $0x3080;
	[dreg:$0xa] =	wrdreg s10  }
0x8: {  	s12 =	simm.s32 $0x3880;
	[dreg:$0xb] =	wrdreg s11  }
0x9: {  	s13 =	simm.s32 $0x4080;
	[dreg:$0xc] =	wrdreg s12  }
0xa: {  	s14 =	simm.s32 $0x4880;
	[dreg:$0xd] =	wrdreg s13  }
0xb: {  	s15 =	simm.s32 $0x5080;
	[dreg:$0xe] =	wrdreg s14  }
0xc: {  	s16 =	simm.s32 $0x5880;
	[dreg:$0xf] =	wrdreg s15  }
0xd: {  	s17 =	simm.s32 $0x6080;
	[dreg:$0x10] =	wrdreg s16  }
0xe: {  	s18 =	simm.s32 $0x6880;
	[dreg:$0x11] =	wrdreg s17  }
0xf: {  	s20 =	simm.s32 $0x7080;
	s21 =	simm.s32 $0x7880;
	[dreg:$0x12] =	wrdreg s18  }
0x10: {  	s22 =	simm.s32 $0x8080;
	s23 =	simm.s32 $0x8880;
	[dreg:$0x13] =	wrdreg s20  }
0x11: {  	s24 =	simm.s32 $0x9080;
	s25 =	simm.s32 $0x9880;
	[dreg:$0x14] =	wrdreg s21  }
0x12: {  	s26 =	simm.s32 $0xA080;
	s28 =	simm.s32 $0x13880;
	[dreg:$0x15] =	wrdreg s22  }
0x13: {  	s29 =	simm.s32 $0x14080;
	s30 =	simm.s32 $0x14880;
	[dreg:$0x16] =	wrdreg s23  }
0x14: {  	s31 =	simm.s32 $0x1;
	s1 =	ssub.s32 $0x2, s1;
	[dreg:$0x17] =	wrdreg s24  }
0x15: {  	s5 =	smul.u32 $0x70, s5;
	s19 =	sshrl.u32 s1, $0x1;
	[dreg:$0x18] =	wrdreg s25  }
0x16: {  	s1 =	ssub.s32 s1, s19;
	s8 =	simm.s32 $0x80;
	[dreg:$0x19] =	wrdreg s26  }
0x17: {  	s9 =	simm.s32 $0xA880;
	s11 =	simm.s32 $0xB880;
	s12 =	simm.s32 $0xC080  }
0x18: {  	s13 =	simm.s32 $0xC880;
	s14 =	simm.s32 $0xD080;
	s15 =	simm.s32 $0xD880  }
0x19: {  	s16 =	simm.s32 $0xE080;
	s17 =	simm.s32 $0xE880;
	s18 =	simm.s32 $0xF080  }
0x1a: {  	s19 =	simm.s32 $0xF880;
	s20 =	simm.s32 $0x10080;
	s21 =	simm.s32 $0x10880  }
0x1b: {  	s22 =	simm.s32 $0x11080;
	s23 =	simm.s32 $0x11880;
	s6 =	sshrl.u32 s5, $0x3  }
0x1c: {  	s5 =	sadd.s32 $0x38, s5;
	s7 =	sadd.s32 s6, s4;
	s6 =	smul.u32 $0x300, s6  }
0x1d: {  	s5 =	sshrl.u32 s5, $0x3;
	s4 =	sadd.s32 $0x600, s4;
	s7 =	sadd.s32 $0x400, s7  }
0x1e: {  	s5 =	smul.u32 $0x300, s5;
	[dreg:$0x3] =	wrdreg s7;
	s6 =	sadd.s32 s4, s6  }
0x1f: {  	s24 =	simm.s32 $0x12080;
	s7 =	simm.s32 $0x1080;
	[dreg:$0x4] =	wrdreg s6  }
0x20: {  	s25 =	simm.s32 $0x12880;
	s4 =	sadd.s32 s4, s5;
	[dreg:$0x7] =	wrdreg s7  }
0x21: {  	v2 =	vlaneseq.u32;
	s26 =	simm.s32 $0x13080;
	s6 =	simm.s32 $0x880;
	[dreg:$0x5] =	wrdreg s4  }
0x22: {  	vm0 =	vmmov $0xffff;
	v1 =	vshrl.u32 v2, $0x3;
	s5 =	sadd.s32 $0x200, s2;
	s7 =	simm.s32 $0x3;
	[dreg:$0x6] =	wrdreg s6  }
0x23: {  	v0 =	vand.u32 $0x7, v2;
	v2 =	vor.u32 $0x8, v2;
	v1 =	vmul.u32 $0x8, v1;
	s4 =	sadd.s32 $0x100, s2;
	s6 =	smax.u32 s1, $0x1;
	s1 =	simm.s32 $0x2  }
.LBB2_1:
0x24: {  	s0 =	rddreg [dreg:$0x3]  }
0x25: {  	[tilespmem:s3], [sflag:$0x3] =	stream.linear.gather [hbm4b:s0+s3], $0x70, $0x38;
	[tilespmem:$0x15080] =	vst v63  }
0x26: {  	_ =	swait.ge [sflag:s7], $0x70  }
0x27: {  	[sflag:s7] =	ssyncset.done $0x0  }
0x28: {  	[sflag:s7] =	ssyncadd.s32 $0xFFFFFF90  }
0x29: {  	v3 =	vld [tilespmem:$0x0];
	_ =	sdelay $0x4  }
0x2a: {  	v4 =	vshrl.u32 v3, $0x3  }
0x2b: {  	v4 =	vmul.u32 $0x30, v4  }
0x2c: {  	v3 =	vand.u32 $0x7, v3  }
0x2d: {  	v3 =	vor.u32 v3, v4  }
0x2e: {  	v4 =	vperm.xlane v3, v0;
	_ =	sdelay $0x1  }
0x2f: {  	v4 =	vadd.s32 v1, v4;
	_ =	sdelay $0x3  }
0x30: {  	v3 =	vperm.xlane v3, v2  }
0x31: {  	[tilespmem:s8], [sflag:$0x1] =	stream.indirect_vreg.gather [hbm4b:s2+s3], $0x80, v4, vm0, $0xb8;
	[tilespmem:$0x15080] =	vst v63  }
0x32: {  	s0 =	rddreg [dreg:$0x6];
	v3 =	vadd.s32 v1, v3  }
0x33: {  	[tilespmem:s0], [sflag:$0x1] =	stream.indirect_vreg.gather [hbm4b:s4+s3], $0x80, v4, vm0, $0xb8;
	[tilespmem:$0x15080] =	vst v63  }
0x34: {  	s10 =	rddreg [dreg:$0x7]  }
0x35: {  	[tilespmem:s10], [sflag:$0x1] =	stream.indirect_vreg.gather [hbm4b:s5+s3], $0x80, v4, vm0, $0xb8;
	[tilespmem:$0x15080] =	vst v63  }
0x36: {  	s0 =	rddreg [dreg:$0x8]  }
0x37: {  	[tilespmem:s0], [sflag:$0x1] =	stream.indirect_vreg.gather [hbm4b:s2+s3], $0x80, v3, vm0, $0xb8;
	[tilespmem:$0x15080] =	vst v63  }
0x38: {  	s10 =	rddreg [dreg:$0x9]  }
0x39: {  	[tilespmem:s10], [sflag:$0x1] =	stream.indirect_vreg.gather [hbm4b:s4+s3], $0x80, v3, vm0, $0xb8;
	[tilespmem:$0x15080] =	vst v63  }
0x3a: {  	s0 =	rddreg [dreg:$0xa]  }
0x3b: {  	[tilespmem:s0], [sflag:$0x1] =	stream.indirect_vreg.gather [hbm4b:s5+s3], $0x80, v3, vm0, $0xb8;
	[tilespmem:$0x15080] =	vst v63  }
0x3c: {  	v3 =	vld [tilespmem:$0x10];
	_ =	sdelay $0x4  }
0x3d: {  	v57 =	vshrl.u32 v3, $0x3  }
0x3e: {  	v4 =	vmul.u32 $0x30, v57  }
0x3f: {  	v3 =	vand.u32 $0x7, v3  }
0x40: {  	v3 =	vor.u32 v3, v4  }
0x41: {  	v4 =	vperm.xlane v3, v0;
	_ =	sdelay $0x1  }
0x42: {  	v4 =	vadd.s32 v1, v4;
	_ =	sdelay $0x3  }
0x43: {  	s0 =	rddreg [dreg:$0xb];
	v3 =	vperm.xlane v3, v2  }
0x44: {  	[tilespmem:s0], [sflag:$0x1] =	stream.indirect_vreg.gather [hbm4b:s2+s3], $0x80, v4, vm0, $0xb8;
	[tilespmem:$0x15080] =	vst v63  }
0x45: {  	s10 =	rddreg [dreg:$0xc];
	v3 =	vadd.s32 v1, v3  }
0x46: {  	[tilespmem:s10], [sflag:$0x1] =	stream.indirect_vreg.gather [hbm4b:s4+s3], $0x80, v4, vm0, $0xb8;
	[tilespmem:$0x15080] =	vst v63  }
0x47: {  	s0 =	rddreg [dreg:$0xd]  }
0x48: {  	[tilespmem:s0], [sflag:$0x1] =	stream.indirect_vreg.gather [hbm4b:s5+s3], $0x80, v4, vm0, $0xb8;
	[tilespmem:$0x15080] =	vst v63  }
0x49: {  	s10 =	rddreg [dreg:$0xe]  }
0x4a: {  	[tilespmem:s10], [sflag:$0x1] =	stream.indirect_vreg.gather [hbm4b:s2+s3], $0x80, v3, vm0, $0xb8;
	[tilespmem:$0x15080] =	vst v63  }
0x4b: {  	s0 =	rddreg [dreg:$0xf]  }
0x4c: {  	[tilespmem:s0], [sflag:$0x1] =	stream.indirect_vreg.gather [hbm4b:s4+s3], $0x80, v3, vm0, $0xb8;
	[tilespmem:$0x15080] =	vst v63  }
0x4d: {  	s10 =	rddreg [dreg:$0x10]  }
0x4e: {  	[tilespmem:s10], [sflag:$0x1] =	stream.indirect_vreg.gather [hbm4b:s5+s3], $0x80, v3, vm0, $0xb8;
	[tilespmem:$0x15080] =	vst v63  }
0x4f: {  	v3 =	vld [tilespmem:$0x20];
	_ =	sdelay $0x4  }
0x50: {  	v58 =	vshrl.u32 v3, $0x3  }
0x51: {  	v4 =	vmul.u32 $0x30, v58  }
0x52: {  	v3 =	vand.u32 $0x7, v3  }
0x53: {  	v3 =	vor.u32 v3, v4  }
0x54: {  	v4 =	vperm.xlane v3, v0;
	_ =	sdelay $0x1  }
0x55: {  	v4 =	vadd.s32 v1, v4;
	_ =	sdelay $0x3  }
0x56: {  	s0 =	rddreg [dreg:$0x11];
	v3 =	vperm.xlane v3, v2  }
0x57: {  	[tilespmem:s0], [sflag:$0x1] =	stream.indirect_vreg.gather [hbm4b:s2+s3], $0x80, v4, vm0, $0xb8;
	[tilespmem:$0x15080] =	vst v63  }
0x58: {  	s10 =	rddreg [dreg:$0x12];
	v3 =	vadd.s32 v1, v3  }
0x59: {  	[tilespmem:s10], [sflag:$0x1] =	stream.indirect_vreg.gather [hbm4b:s4+s3], $0x80, v4, vm0, $0xb8;
	[tilespmem:$0x15080] =	vst v63  }
0x5a: {  	s0 =	rddreg [dreg:$0x13]  }
0x5b: {  	[tilespmem:s0], [sflag:$0x1] =	stream.indirect_vreg.gather [hbm4b:s5+s3], $0x80, v4, vm0, $0xb8;
	[tilespmem:$0x15080] =	vst v63  }
0x5c: {  	s10 =	rddreg [dreg:$0x14]  }
0x5d: {  	[tilespmem:s10], [sflag:$0x1] =	stream.indirect_vreg.gather [hbm4b:s2+s3], $0x80, v3, vm0, $0xb8;
	[tilespmem:$0x15080] =	vst v63  }
0x5e: {  	s0 =	rddreg [dreg:$0x15]  }
0x5f: {  	[tilespmem:s0], [sflag:$0x1] =	stream.indirect_vreg.gather [hbm4b:s4+s3], $0x80, v3, vm0, $0xb8;
	[tilespmem:$0x15080] =	vst v63  }
0x60: {  	s10 =	rddreg [dreg:$0x16]  }
0x61: {  	[tilespmem:s10], [sflag:$0x1] =	stream.indirect_vreg.gather [hbm4b:s5+s3], $0x80, v3, vm0, $0xb8;
	[tilespmem:$0x15080] =	vst v63  }
0x62: {  	v3 =	vld.msk [tilespmem:$0x30], $0xff;
	_ =	sdelay $0x4  }
0x63: {  	v59 =	vshrl.u32 v3, $0x3  }
0x64: {  	v4 =	vmul.u32 $0x30, v59  }
0x65: {  	v3 =	vand.u32 $0x7, v3  }
0x66: {  	v3 =	vor.u32 v3, v4  }
0x67: {  	v3 =	vperm.xlane v3, v0;
	_ =	sdelay $0x1  }
0x68: {  	v3 =	vadd.s32 v1, v3;
	_ =	sdelay $0x3  }
0x69: {  	s0 =	rddreg [dreg:$0x17]  }
0x6a: {  	[tilespmem:s0], [sflag:$0x1] =	stream.indirect_vreg.gather [hbm4b:s2+s3], $0x80, v3, vm0, $0xb8;
	[tilespmem:$0x15080] =	vst v63  }
0x6b: {  	s10 =	rddreg [dreg:$0x18]  }
0x6c: {  	[tilespmem:s10], [sflag:$0x1] =	stream.indirect_vreg.gather [hbm4b:s4+s3], $0x80, v3, vm0, $0xb8;
	[tilespmem:$0x15080] =	vst v63  }
0x6d: {  	s0 =	rddreg [dreg:$0x19]  }
0x6e: {  	[tilespmem:s0], [sflag:$0x1] =	stream.indirect_vreg.gather [hbm4b:s5+s3], $0x80, v3, vm0, $0xb8;
	[tilespmem:$0x15080] =	vst v63  }
0x6f: {  	v3 =	vld [tilespmem:$0x38];
	_ =	sdelay $0x4  }
0x70: {  	v60 =	vshrl.u32 v3, $0x3  }
0x71: {  	v4 =	vmul.u32 $0x30, v60  }
0x72: {  	v3 =	vand.u32 $0x7, v3  }
0x73: {  	v3 =	vor.u32 v3, v4  }
0x74: {  	v4 =	vperm.xlane v3, v0;
	_ =	sdelay $0x1  }
0x75: {  	v4 =	vadd.s32 v1, v4;
	_ =	sdelay $0x3  }
0x76: {  	v3 =	vperm.xlane v3, v2  }
0x77: {  	[tilespmem:s9], [sflag:$0x1] =	stream.indirect_vreg.gather [hbm4b:s2+s3], $0x80, v4, vm0, $0xb8;
	[tilespmem:$0x15080] =	vst v63  }
0x78: {  	s10 =	simm.s32 $0xB080;
	v3 =	vadd.s32 v1, v3  }
0x79: {  	[tilespmem:s10], [sflag:$0x1] =	stream.indirect_vreg.gather [hbm4b:s4+s3], $0x80, v4, vm0, $0xb8;
	[tilespmem:$0x15080] =	vst v63  }
0x7a: {  	_ = 	snop  }
0x7b: {  	[tilespmem:s11], [sflag:$0x1] =	stream.indirect_vreg.gather [hbm4b:s5+s3], $0x80, v4, vm0, $0xb8;
	[tilespmem:$0x15080] =	vst v63  }
0x7c: {  	_ = 	snop  }
0x7d: {  	[tilespmem:s12], [sflag:$0x1] =	stream.indirect_vreg.gather [hbm4b:s2+s3], $0x80, v3, vm0, $0xb8;
	[tilespmem:$0x15080] =	vst v63  }
0x7e: {  	_ = 	snop  }
0x7f: {  	[tilespmem:s13], [sflag:$0x1] =	stream.indirect_vreg.gather [hbm4b:s4+s3], $0x80, v3, vm0, $0xb8;
	[tilespmem:$0x15080] =	vst v63  }
0x80: {  	_ = 	snop  }
0x81: {  	[tilespmem:s14], [sflag:$0x1] =	stream.indirect_vreg.gather [hbm4b:s5+s3], $0x80, v3, vm0, $0xb8;
	[tilespmem:$0x15080] =	vst v63  }
0x82: {  	v3 =	vld [tilespmem:$0x48];
	_ =	sdelay $0x4  }
0x83: {  	v61 =	vshrl.u32 v3, $0x3  }
0x84: {  	v4 =	vmul.u32 $0x30, v61  }
0x85: {  	v3 =	vand.u32 $0x7, v3  }
0x86: {  	v3 =	vor.u32 v3, v4  }
0x87: {  	v4 =	vperm.xlane v3, v0;
	_ =	sdelay $0x1  }
0x88: {  	v4 =	vadd.s32 v1, v4;
	_ =	sdelay $0x3  }
0x89: {  	v3 =	vperm.xlane v3, v2  }
0x8a: {  	[tilespmem:s15], [sflag:$0x1] =	stream.indirect_vreg.gather [hbm4b:s2+s3], $0x80, v4, vm0, $0xb8;
	[tilespmem:$0x15080] =	vst v63  }
0x8b: {  	v3 =	vadd.s32 v1, v3  }
0x8c: {  	[tilespmem:s16], [sflag:$0x1] =	stream.indirect_vreg.gather [hbm4b:s4+s3], $0x80, v4, vm0, $0xb8;
	[tilespmem:$0x15080] =	vst v63  }
0x8d: {  	_ = 	snop  }
0x8e: {  	[tilespmem:s17], [sflag:$0x1] =	stream.indirect_vreg.gather [hbm4b:s5+s3], $0x80, v4, vm0, $0xb8;
	[tilespmem:$0x15080] =	vst v63  }
0x8f: {  	_ = 	snop  }
0x90: {  	[tilespmem:s18], [sflag:$0x1] =	stream.indirect_vreg.gather [hbm4b:s2+s3], $0x80, v3, vm0, $0xb8;
	[tilespmem:$0x15080] =	vst v63  }
0x91: {  	_ = 	snop  }
0x92: {  	[tilespmem:s19], [sflag:$0x1] =	stream.indirect_vreg.gather [hbm4b:s4+s3], $0x80, v3, vm0, $0xb8;
	[tilespmem:$0x15080] =	vst v63  }
0x93: {  	_ = 	snop  }
0x94: {  	[tilespmem:s20], [sflag:$0x1] =	stream.indirect_vreg.gather [hbm4b:s5+s3], $0x80, v3, vm0, $0xb8;
	[tilespmem:$0x15080] =	vst v63  }
0x95: {  	v3 =	vld [tilespmem:$0x58];
	_ =	sdelay $0x4  }
0x96: {  	v62 =	vshrl.u32 v3, $0x3  }
0x97: {  	v4 =	vmul.u32 $0x30, v62  }
0x98: {  	v3 =	vand.u32 $0x7, v3  }
0x99: {  	v3 =	vor.u32 v3, v4  }
0x9a: {  	v4 =	vperm.xlane v3, v0;
	_ =	sdelay $0x1  }
0x9b: {  	v4 =	vadd.s32 v1, v4;
	_ =	sdelay $0x3  }
0x9c: {  	v3 =	vperm.xlane v3, v2  }
0x9d: {  	[tilespmem:s21], [sflag:$0x1] =	stream.indirect_vreg.gather [hbm4b:s2+s3], $0x80, v4, vm0, $0xb8;
	[tilespmem:$0x15080] =	vst v63  }
0x9e: {  	v3 =	vadd.s32 v1, v3  }
0x9f: {  	[tilespmem:s22], [sflag:$0x1] =	stream.indirect_vreg.gather [hbm4b:s4+s3], $0x80, v4, vm0, $0xb8;
	[tilespmem:$0x15080] =	vst v63  }
0xa0: {  	_ = 	snop  }
0xa1: {  	[tilespmem:s23], [sflag:$0x1] =	stream.indirect_vreg.gather [hbm4b:s5+s3], $0x80, v4, vm0, $0xb8;
	[tilespmem:$0x15080] =	vst v63  }
0xa2: {  	_ = 	snop  }
0xa3: {  	[tilespmem:s24], [sflag:$0x1] =	stream.indirect_vreg.gather [hbm4b:s2+s3], $0x80, v3, vm0, $0xb8;
	[tilespmem:$0x15080] =	vst v63  }
0xa4: {  	_ = 	snop  }
0xa5: {  	[tilespmem:s25], [sflag:$0x1] =	stream.indirect_vreg.gather [hbm4b:s4+s3], $0x80, v3, vm0, $0xb8;
	[tilespmem:$0x15080] =	vst v63  }
0xa6: {  	_ = 	snop  }
0xa7: {  	[tilespmem:s26], [sflag:$0x1] =	stream.indirect_vreg.gather [hbm4b:s5+s3], $0x80, v3, vm0, $0xb8;
	[tilespmem:$0x15080] =	vst v63  }
0xa8: {  	v3 =	vld.msk [tilespmem:$0x68], $0xff;
	_ =	sdelay $0x4  }
0xa9: {  	v63 =	vshrl.u32 v3, $0x3  }
0xaa: {  	v4 =	vmul.u32 $0x30, v63  }
0xab: {  	v3 =	vand.u32 $0x7, v3  }
0xac: {  	v3 =	vor.u32 v3, v4  }
0xad: {  	v3 =	vperm.xlane v3, v0;
	_ =	sdelay $0x1  }
0xae: {  	v3 =	vadd.s32 v1, v3;
	_ =	sdelay $0x4  }
0xaf: {  	[tilespmem:s28], [sflag:$0x1] =	stream.indirect_vreg.gather [hbm4b:s2+s3], $0x80, v3, vm0, $0xb8;
	[tilespmem:$0x15080] =	vst v63  }
0xb0: {  	_ = 	snop  }
0xb1: {  	[tilespmem:s29], [sflag:$0x1] =	stream.indirect_vreg.gather [hbm4b:s4+s3], $0x80, v3, vm0, $0xb8;
	[tilespmem:$0x15080] =	vst v63  }
0xb2: {  	_ = 	snop  }
0xb3: {  	[tilespmem:s30], [sflag:$0x1] =	stream.indirect_vreg.gather [hbm4b:s5+s3], $0x80, v3, vm0, $0xb8;
	[tilespmem:$0x15080] =	vst v63  }
0xb4: {  	_ =	swait.ge [sflag:s31], $0xA800  }
0xb5: {  	[sflag:s31] =	ssyncset.done $0x0  }
0xb6: {  	s10 =	rddreg [dreg:$0x4];
	[sflag:s31] =	ssyncadd.s32 $0xFFFF5800  }
0xb7: {  	[hbm4b:s10+s3] =	stream.linear.scatter [tilespmem:s8], [sflag:$0x2], $0xA800, $0x38;
	[tilespmem:$0x15080] =	vst v63  }
0xb8: {  	_ =	swait.ge [sflag:s31], $0xA800  }
0xb9: {  	[sflag:s31] =	ssyncset.done $0x0  }
0xba: {  	s10 =	rddreg [dreg:$0x5];
	[sflag:s31] =	ssyncadd.s32 $0xFFFF5800  }
0xbb: {  	[hbm4b:s10+s3] =	stream.linear.scatter [tilespmem:s9], [sflag:$0x2], $0xA800, $0x38;
	[tilespmem:$0x15080] =	vst v63  }
0xbc: {  	p0 =	sne.s32 s6, $0x1;
	_ =	swait.ge [sflag:s1], $0xA800  }
.Ltmp0:
0xbd: {  	[sflag:s1] =	ssyncset.done $0x0;
	(pc) =	sbr.rel @p0 .LBB2_1-.Ltmp0, $4  }
0xbe: {  	[sflag:s1] =	ssyncadd.s32 $0xFFFF5800  }
0xbf: {  	_ =	swait.ge [sflag:s1], $0xA800  }
0xc0: {  	[sflag:s1] =	ssyncset.done $0x0  }
0xc1: {  	s6 =	sadd.s32 $0xFFFFFFFF, s6;
	[sflag:s1] =	ssyncadd.s32 $0xFFFF5800  }
0xc2: {  	_ =	sfence.sel $0x180000  }
0xc3: {  	[bflag:$0x0] =	sbarrier.arrive $0xFFFF  }
0xc4: {  	_ =	strace $0x90000047  }
0xc5: {  	s0 =	stileid.u32;
	[bflag:$0x2] =	sbarrier.arrive $0xFFFF  }
0xc6: {  	p0 =	sne.s32 s0, $0x0;
	s0 =	rddreg [dreg:$0x2]  }
0xc7: {  	s0 =	sadd.s32 @!p0 $0x100000, s0  }
0xc8: {  	[sflag:s0] =	ssyncadd.tile.s32 @!p0 $0x1;
	_ =	shalt  }
.Lfunc_end2:
_tile_overlayer_lowered:
.L_overlay_start_2:
0xc9: {  	(tag) =	ssettag $0x2  }
0xca: {  	s0 =	rddreg [dreg:$0x0];
	s2 =	stileid.u32  }
0xcb: {  	s1 =	rddreg [dreg:$0x1];
	p0 =	sne.s32 s2, $0x0  }
0xcc: {  	s3 =	rddreg [dreg:$0x2];
	[bflag:$0x3] =	sbarrier.arrive $0xFFFF;
	s2 =	simm.s32 @!p0 $0x1C03  }
0xcd: {  	[timem:s3], [sflag:s2] =	dma.local @!p0 [hbm:s0], s1  }
0xce: {  	s0 =	simm.s32 @!p0 $0x3  }
0xcf: {  	_ =	swait.ge @!p0 [sflag:s0], s1  }
0xd0: {  	s1 =	ssub.s32 @!p0 $0x0, s1;
	[sflag:s0] =	ssyncset.done @!p0 $0x0  }
0xd1: {  	[sflag:s0] =	ssyncadd.s32 @!p0 s1  }
0xd2: {  	[bflag:$0x3] =	sbarrier.arrive $0xFFFF  }
0xd3: {  	_ =	shalt  }

</sc_bundles>
